<compile_context>
chip_gen: v7x
topology: tpu7x:2x2x1
jax: 0.10.2.dev20260603
libtpu: 0.0.44.dev20260713+nightly
codegen_flags: <defaults>
</compile_context>

<pallas_src>
import functools

import jax
import jax.numpy as jnp
from jax import lax
from jax.experimental import pallas as pl
from jax.experimental.pallas import tpu as pltpu
from jax.experimental.pallas import tpu_sc as plsc

_B = 1024
_D = 128
_SEQ = 50
_NC = 2
_NS = 16
_NW = _NC * _NS
_BPW = _B // _NW

_mesh = plsc.VectorSubcoreMesh(core_axis_name="c", subcore_axis_name="s")


@functools.partial(
    pl.kernel,
    mesh=_mesh,
    out_type=[
        jax.ShapeDtypeStruct((_B, _D), jnp.float32),
        jax.ShapeDtypeStruct((_B, _D), jnp.float32),
    ],
    scratch_types=[
        pltpu.VMEM((2 * _BPW,), jnp.int32),
        pltpu.VMEM((2 * _BPW, _D), jnp.float32),
        pltpu.SemaphoreType.DMA,
    ],
)
def _sc_double_gather(idx_hbm, table_hbm, apb_out, lsn_out,
                      idx_v, rows_v, sem_g):
    wid = lax.axis_index("s") * _NC + lax.axis_index("c")
    base = wid * _BPW
    pltpu.sync_copy(idx_hbm.at[pl.ds(wid * 2 * _BPW, 2 * _BPW)], idx_v)
    pltpu.async_copy(table_hbm.at[idx_v], rows_v, sem_g).wait()
    pltpu.sync_copy(rows_v.at[pl.ds(0, _BPW)], apb_out.at[pl.ds(base, _BPW)])
    pltpu.sync_copy(rows_v.at[pl.ds(_BPW, _BPW)], lsn_out.at[pl.ds(base, _BPW)])


def kernel(spkemb, alsn, tlsn, active_passive_bit, lsn_id, ape_table, lsn_table):
    table = jnp.concatenate([ape_table, lsn_table], axis=0)
    apb_i = active_passive_bit.astype(jnp.int32).reshape(_NW, 1, _BPW)
    lsn_i = (lsn_id.astype(jnp.int32) + 3).reshape(_NW, 1, _BPW)
    idx = jnp.concatenate([apb_i, lsn_i], axis=1).reshape(-1)
    z = lax.optimization_barrier(jnp.zeros((), jnp.float32))
    spk_o = spkemb + z
    alsn_o = alsn + z
    tlsn_o = tlsn + z
    idx, _ = lax.optimization_barrier((idx, spk_o[0, 0, 0]))
    apb, lsn_rows = _sc_double_gather(idx, table)
    return (spk_o, alsn_o, tlsn_o, apb, lsn_rows[:, None, :])

# --- scband reference (transcript-rebuilt; emitter-appended) ---
"""Pipeline reference for scband-text-audio-motion-fuser-13022340841734 (READ-ONLY COPY).

The authoritative reference and input builder live on the scoring server;
editing this copy changes nothing except your own understanding.
"""

import jax, jax.numpy as jnp
import numpy as np

BS = 1024
SEQ = 50
DIM = 128
OUT_DIM = 128

def setup_inputs(seed: int = 0) -> dict:
    key = jax.random.key(seed)
    k1, k2, k3, k4, k5, k6, k7 = jax.random.split(key, 7)
    spkemb = jax.random.normal(k1, (BS, SEQ, DIM), dtype=jnp.float32)
    alsn = jax.random.normal(k2, (BS, SEQ, DIM), dtype=jnp.float32)
    tlsn = jax.random.normal(k3, (BS, SEQ, DIM), dtype=jnp.float32)
    active_passive_bit = jax.random.randint(k4, (BS,), 0, 3, dtype=jnp.int64 if jax.config.read('jax_enable_x64') else jnp.int32)
    lsn_id = jax.random.randint(k5, (BS,), 0, 36, dtype=jnp.int64 if jax.config.read('jax_enable_x64') else jnp.int32)
    # learned embedding tables per init_kwargs: nn.Embedding(3, out_dim), nn.Embedding(36, out_dim)
    ape_table = jax.random.normal(k6, (3, OUT_DIM), dtype=jnp.float32)
    lsn_table = jax.random.normal(k7, (36, OUT_DIM), dtype=jnp.float32)
    return {
        'spkemb': spkemb,
        'alsn': alsn,
        'tlsn': tlsn,
        'active_passive_bit': active_passive_bit,
        'lsn_id': lsn_id,
        'ape_table': ape_table,
        'lsn_table': lsn_table,
    }

def reference(spkemb, alsn, tlsn, active_passive_bit, lsn_id, ape_table, lsn_table):
    # apb = self.active_passive_emb(active_passive_bit)
    apb = jnp.take(ape_table, active_passive_bit.astype(jnp.int32), axis=0)
    # lsnemb = self.lsn_id_emb(lsn_id).unsqueeze(1)
    lsnemb = jnp.take(lsn_table, lsn_id.astype(jnp.int32), axis=0)[:, None, :]
    return (spkemb, alsn, tlsn, apb, lsnemb)

if __name__ == "__main__":
    import jax
    _d = setup_inputs()
    print(jax.jit(kernel)(*tuple(_d.values())))

</pallas_src>

<mosaic_0001>
#map = affine_map<(d0, d1) -> (0)>
#map1 = affine_map<(d0, d1) -> (0, 0)>
module attributes {stable_mosaic.version = 14 : i64} {
  func.func @_sc_double_gather(%arg0: i32, %arg1: i32, %arg2: memref<2048xi32, #tpu.memory_space<hbm>>, %arg3: memref<39x128xf32, #tpu.memory_space<hbm>>, %arg4: memref<1024x128xf32, #tpu.memory_space<hbm>>, %arg5: memref<1024x128xf32, #tpu.memory_space<hbm>>, %arg6: memref<64xi32, #tpu.memory_space<vmem>>, %arg7: memref<64x128xf32, #tpu.memory_space<vmem>>, %arg8: memref<!tpu.dma_semaphore, #tpu.memory_space<semaphore_mem>>) attributes {dimension_semantics = [#tpu.dimension_semantics<core_parallel>, #tpu.dimension_semantics<subcore_parallel>], iteration_bounds = array<i64: 2, 16>, scalar_prefetch = 0 : i64, scratch_operands = 3 : i64, tpu.core_type = #tpu.core_type<sc_vector_subcore>, window_params = [{transform_indices = #map}, {transform_indices = #map1}, {transform_indices = #map1}, {transform_indices = #map1}]} {
    %mul3A = arith.constant 2 : i32
    %mul3A_0 = arith.muli %arg1, %mul3A : i32
    %add3A = arith.addi %mul3A_0, %arg0 : i32
    %mul3A_1 = arith.constant 32 : i32
    %mul3A_2 = arith.muli %add3A, %mul3A_1 : i32
    %mul3A_3 = arith.constant 2 : i32
    %mul3A_4 = arith.muli %add3A, %mul3A_3 : i32
    %mul3A_5 = arith.constant 32 : i32
    %mul3A_6 = arith.muli %mul3A_4, %mul3A_5 : i32
    "tpu.region"() ({
      %run_scoped3A = tpu.sem_alloc : memref<!tpu.dma_semaphore, #tpu.memory_space<semaphore_mem>>
      %dma_start3A_11 = tpu.memref_slice %arg2[%mul3A_6] : memref<2048xi32, #tpu.memory_space<hbm>> -> memref<64xi32, #tpu.memory_space<hbm>>
      %dma_start3A_12 = tpu.memref_slice %arg2[%mul3A_6] : memref<2048xi32, #tpu.memory_space<hbm>> -> memref<64xi32, #tpu.memory_space<hbm>>
      tpu.enqueue_dma source(%dma_start3A_12 : memref<64xi32, #tpu.memory_space<hbm>>) target(%arg6 : memref<64xi32, #tpu.memory_space<vmem>>) target_semaphore(%run_scoped3A : memref<!tpu.dma_semaphore, #tpu.memory_space<semaphore_mem>>)
      %dma_wait3A_13 = tpu.memref_slice %arg2[%mul3A_6] : memref<2048xi32, #tpu.memory_space<hbm>> -> memref<64xi32, #tpu.memory_space<hbm>>
      %dma_wait3A_14 = tpu.memref_slice %arg2[%mul3A_6] : memref<2048xi32, #tpu.memory_space<hbm>> -> memref<64xi32, #tpu.memory_space<hbm>>
      tpu.wait_dma2 semaphore(%run_scoped3A : memref<!tpu.dma_semaphore, #tpu.memory_space<semaphore_mem>>) src(%dma_wait3A_14 : memref<64xi32, #tpu.memory_space<hbm>>) dst(%arg6 : memref<64xi32, #tpu.memory_space<vmem>>)
      tpu.yield
    }) : () -> ()
    %dma_start3A = arith.constant 0 : i32
    %dma_start3A_7 = arith.constant 0 : i32
    %dma_start3A_8 = tpu.memref_slice %arg3[%dma_start3A, %dma_start3A_7] : memref<39x128xf32, #tpu.memory_space<hbm>> -> memref<39x128xf32, #tpu.memory_space<hbm>>
    tpu.enqueue_indirect_dma source(%dma_start3A_8 : memref<39x128xf32, #tpu.memory_space<hbm>>) target(%arg7 : memref<64x128xf32, #tpu.memory_space<vmem>>) offsets(%arg6 : memref<64xi32, #tpu.memory_space<vmem>>) semaphore(%arg8 : memref<!tpu.dma_semaphore, #tpu.memory_space<semaphore_mem>>)
    %dma_wait3A = arith.constant 0 : i32
    %dma_wait3A_9 = arith.constant 0 : i32
    %dma_wait3A_10 = tpu.memref_slice %arg3[%dma_wait3A, %dma_wait3A_9] : memref<39x128xf32, #tpu.memory_space<hbm>> -> memref<39x128xf32, #tpu.memory_space<hbm>>
    tpu.wait_indirect_dma semaphore(%arg8 : memref<!tpu.dma_semaphore, #tpu.memory_space<semaphore_mem>>) src(%dma_wait3A_10 : memref<39x128xf32, #tpu.memory_space<hbm>>) dst(%arg7 : memref<64x128xf32, #tpu.memory_space<vmem>>)
    "tpu.region"() ({
      %run_scoped3A = tpu.sem_alloc : memref<!tpu.dma_semaphore, #tpu.memory_space<semaphore_mem>>
      %dma_start3A_11 = arith.constant 0 : i32
      %dma_start3A_12 = arith.constant 0 : i32
      %dma_start3A_13 = tpu.memref_slice %arg7[%dma_start3A_11, %dma_start3A_12] : memref<64x128xf32, #tpu.memory_space<vmem>> -> memref<32x128xf32, #tpu.memory_space<vmem>>
      %dma_start3A_14 = arith.constant 0 : i32
      %dma_start3A_15 = tpu.memref_slice %arg4[%mul3A_2, %dma_start3A_14] : memref<1024x128xf32, #tpu.memory_space<hbm>> -> memref<32x128xf32, #tpu.memory_space<hbm>>
      %dma_start3A_16 = arith.constant 0 : i32
      %dma_start3A_17 = tpu.memref_slice %arg4[%mul3A_2, %dma_start3A_16] : memref<1024x128xf32, #tpu.memory_space<hbm>> -> memref<32x128xf32, #tpu.memory_space<hbm>>
      %dma_start3A_18 = arith.constant 0 : i32
      %dma_start3A_19 = arith.constant 0 : i32
      %dma_start3A_20 = tpu.memref_slice %arg7[%dma_start3A_18, %dma_start3A_19] : memref<64x128xf32, #tpu.memory_space<vmem>> -> memref<32x128xf32, #tpu.memory_space<vmem>>
      tpu.enqueue_dma source(%dma_start3A_20 : memref<32x128xf32, #tpu.memory_space<vmem>>) target(%dma_start3A_17 : memref<32x128xf32, #tpu.memory_space<hbm>>) target_semaphore(%run_scoped3A : memref<!tpu.dma_semaphore, #tpu.memory_space<semaphore_mem>>)
      %dma_wait3A_21 = arith.constant 0 : i32
      %dma_wait3A_22 = arith.constant 0 : i32
      %dma_wait3A_23 = tpu.memref_slice %arg7[%dma_wait3A_21, %dma_wait3A_22] : memref<64x128xf32, #tpu.memory_space<vmem>> -> memref<32x128xf32, #tpu.memory_space<vmem>>
      %dma_wait3A_24 = arith.constant 0 : i32
      %dma_wait3A_25 = tpu.memref_slice %arg4[%mul3A_2, %dma_wait3A_24] : memref<1024x128xf32, #tpu.memory_space<hbm>> -> memref<32x128xf32, #tpu.memory_space<hbm>>
      %dma_wait3A_26 = arith.constant 0 : i32
      %dma_wait3A_27 = tpu.memref_slice %arg4[%mul3A_2, %dma_wait3A_26] : memref<1024x128xf32, #tpu.memory_space<hbm>> -> memref<32x128xf32, #tpu.memory_space<hbm>>
      %dma_wait3A_28 = arith.constant 0 : i32
      %dma_wait3A_29 = arith.constant 0 : i32
      %dma_wait3A_30 = tpu.memref_slice %arg7[%dma_wait3A_28, %dma_wait3A_29] : memref<64x128xf32, #tpu.memory_space<vmem>> -> memref<32x128xf32, #tpu.memory_space<vmem>>
      tpu.wait_dma2 semaphore(%run_scoped3A : memref<!tpu.dma_semaphore, #tpu.memory_space<semaphore_mem>>) src(%dma_wait3A_30 : memref<32x128xf32, #tpu.memory_space<vmem>>) dst(%dma_wait3A_27 : memref<32x128xf32, #tpu.memory_space<hbm>>)
      tpu.yield
    }) : () -> ()
    "tpu.region"() ({
      %run_scoped3A = tpu.sem_alloc : memref<!tpu.dma_semaphore, #tpu.memory_space<semaphore_mem>>
      %dma_start3A_11 = arith.constant 32 : i32
      %dma_start3A_12 = arith.constant 0 : i32
      %dma_start3A_13 = tpu.memref_slice %arg7[%dma_start3A_11, %dma_start3A_12] : memref<64x128xf32, #tpu.memory_space<vmem>> -> memref<32x128xf32, #tpu.memory_space<vmem>>
      %dma_start3A_14 = arith.constant 0 : i32
      %dma_start3A_15 = tpu.memref_slice %arg5[%mul3A_2, %dma_start3A_14] : memref<1024x128xf32, #tpu.memory_space<hbm>> -> memref<32x128xf32, #tpu.memory_space<hbm>>
      %dma_start3A_16 = arith.constant 0 : i32
      %dma_start3A_17 = tpu.memref_slice %arg5[%mul3A_2, %dma_start3A_16] : memref<1024x128xf32, #tpu.memory_space<hbm>> -> memref<32x128xf32, #tpu.memory_space<hbm>>
      %dma_start3A_18 = arith.constant 32 : i32
      %dma_start3A_19 = arith.constant 0 : i32
      %dma_start3A_20 = tpu.memref_slice %arg7[%dma_start3A_18, %dma_start3A_19] : memref<64x128xf32, #tpu.memory_space<vmem>> -> memref<32x128xf32, #tpu.memory_space<vmem>>
      tpu.enqueue_dma source(%dma_start3A_20 : memref<32x128xf32, #tpu.memory_space<vmem>>) target(%dma_start3A_17 : memref<32x128xf32, #tpu.memory_space<hbm>>) target_semaphore(%run_scoped3A : memref<!tpu.dma_semaphore, #tpu.memory_space<semaphore_mem>>)
      %dma_wait3A_21 = arith.constant 32 : i32
      %dma_wait3A_22 = arith.constant 0 : i32
      %dma_wait3A_23 = tpu.memref_slice %arg7[%dma_wait3A_21, %dma_wait3A_22] : memref<64x128xf32, #tpu.memory_space<vmem>> -> memref<32x128xf32, #tpu.memory_space<vmem>>
      %dma_wait3A_24 = arith.constant 0 : i32
      %dma_wait3A_25 = tpu.memref_slice %arg5[%mul3A_2, %dma_wait3A_24] : memref<1024x128xf32, #tpu.memory_space<hbm>> -> memref<32x128xf32, #tpu.memory_space<hbm>>
      %dma_wait3A_26 = arith.constant 0 : i32
      %dma_wait3A_27 = tpu.memref_slice %arg5[%mul3A_2, %dma_wait3A_26] : memref<1024x128xf32, #tpu.memory_space<hbm>> -> memref<32x128xf32, #tpu.memory_space<hbm>>
      %dma_wait3A_28 = arith.constant 32 : i32
      %dma_wait3A_29 = arith.constant 0 : i32
      %dma_wait3A_30 = tpu.memref_slice %arg7[%dma_wait3A_28, %dma_wait3A_29] : memref<64x128xf32, #tpu.memory_space<vmem>> -> memref<32x128xf32, #tpu.memory_space<vmem>>
      tpu.wait_dma2 semaphore(%run_scoped3A : memref<!tpu.dma_semaphore, #tpu.memory_space<semaphore_mem>>) src(%dma_wait3A_30 : memref<32x128xf32, #tpu.memory_space<vmem>>) dst(%dma_wait3A_27 : memref<32x128xf32, #tpu.memory_space<hbm>>)
      tpu.yield
    }) : () -> ()
    return
  }
}

</mosaic_0001>

<sc_bundles>
// kernel: kernel.3.cloned.1.call-start
scs
__scs_entry_jumppad:
0x0: {  	(pc) =	sbr.rel $0x88, $3  }
0x1: {  	(tag) =	ssettag $0x0;
	lr =	simm.s32 $0x1  }
0x2: {  	[smem:$0x3F9A] =	sst lr;
	_ =	strace $0xD0000000  }
0x3: {  	_ = 	snop  }
0x4: {  	_ = 	snop  }
0x5: {  	_ = 	snop  }
0x6: {  	_ = 	snop  }
0x7: {  	_ = 	snop  }
__scs_overlays_trampoline_lowered:
0x8: {  	[smem:$0x3FA9] =	sst s0  }
0x9: {  	[smem:$0x3FAA] =	sst s1  }
0xa: {  	[smem:$0x3FAB] =	sst s2  }
0xb: {  	[smem:$0x3FAC] =	sst s3  }
0xc: {  	[smem:$0x3FAD] =	sst s4  }
0xd: {  	[smem:$0x3FAE] =	sst s5  }
0xe: {  	[smem:$0x3FAF] =	sst s6  }
0xf: {  	[smem:$0x3FB0] =	sst s7  }
0x10: {  	[smem:$0x3FB1] =	sst s8  }
0x11: {  	[smem:$0x3FB2] =	sst s9;
	s0 =	simm.s32 @!p0 $0x0  }
0x12: {  	s1 =	sld [smem:$0x3F98];
	s0 =	simm.s32 @p0 $0x1  }
0x13: {  	[smem:$0x3FB3] =	sst s0;
	s0 =	simm.s32 @!p1 $0x0  }
0x14: {  	s2 =	sld [smem:$0x3F97];
	s0 =	simm.s32 @p1 $0x1  }
0x15: {  	[smem:$0x3FB4] =	sst s0;
	s0 =	simm.s32 @!p2 $0x0  }
0x16: {  	s3 =	sld [smem:$0x3FDB];
	s0 =	simm.s32 @p2 $0x1  }
0x17: {  	s4 =	simm.s32 $0x1BF5;
	[smem:$0x3FB6] =	sst s0  }
0x18: {  	s0 =	sld [smem:$0x3F99];
	_ =	swait.ge [sflag:s4], $0x0  }
0x19: {  	s7 =	sld [smem:$0x3F9A]  }
0x1a: {  	s8 =	sadd.s32 $0xFFFFE003, lr  }
0x1b: {  	s9 =	sadd.s32 $0xFFFFFEF7, lr;
	s5 =	simm.s32 $0xFFFFFFFF;
	p2 =	slt.u32 s8, $0xFFFFF086  }
0x1c: {  	p1 =	slt.u32 s9, $0xF7A;
	s5 =	simm.s32 @!p2 $0x0  }
0x1d: {  	s5 =	simm.s32 @p1 $0x1;
	p0 =	seq.s32 s7, s2  }
0x1e: {  	s7 =	smul.u32 @!p0 $0xF7A, s2;
	p2 =	seq.s32 @!p0 s5, $0x0  }
0x1f: {  	s9 =	smul.u32 $0xF7A, s1;
	s8 =	simm.s32 @!p0 $0x1BF5;
	p2 =	por !p2, p0  }
0x20: {  	[sflag:s8] =	ssyncset.s32 @!p0 $0xFFFFF086;
	s6 =	sadd.s32 @!p0 s3, s7;
	s7 =	simm.s32 @!p0 $0x108  }
0x21: {  	s3 =	sadd.s32 s3, s9;
	s6 =	sadd.s32 @!p0 $0x88, s6;
	s7 =	simm.s32 @p2 $0x1082  }
0x22: {  	[simem:s7], [sflag:s8] =	dma.local @!p0 [hbm:s6], $0xF7A  }
0x23: {  	s9 =	sor.u32 $0xD0000000, s2;
	s6 =	simm.s32 $0x108;
	_ =	swait.ge @!p0 [sflag:s8], $0x0  }
0x24: {  	s3 =	sadd.s32 $0x88, s3;
	s6 =	simm.s32 @!p1 $0x1082;
	[sflag:s4] =	ssyncset.s32 $0xFFFFF086  }
0x25: {  	[simem:s6], [sflag:s4] =	dma.local [hbm:s3], $0xF7A  }
0x26: {  	[smem:$0x3F9A] =	sst s1;
	(tag) =	ssettag s2;
	_ =	strace s9  }
0x27: {  	s1 =	sld [smem:$0x3FAA]  }
0x28: {  	s2 =	sld [smem:$0x3FAB]  }
0x29: {  	s4 =	sld [smem:$0x3FAD]  }
0x2a: {  	p0 =	seq.s32 s5, $0x0;
	s5 =	sld [smem:$0x3FAE]  }
0x2b: {  	s6 =	sld [smem:$0x3FAF]  }
0x2c: {  	s7 =	sld [smem:$0x3FB0]  }
0x2d: {  	s3 =	simm.s32 $0x108;
	s8 =	sld [smem:$0x3FB1]  }
0x2e: {  	s3 =	simm.s32 @!p0 $0x1082;
	s9 =	sld [smem:$0x3FB2]  }
0x2f: {  	lr =	sadd.s32 s0, s3;
	s0 =	sld [smem:$0x3FA9]  }
0x30: {  	s3 =	sld [smem:$0x3FAC]  }
0x31: {  	[smem:$0x3FB5] =	sst s10  }
0x32: {  	s10 =	sld [smem:$0x3FB3];
	_ =	sdelay $0x3  }
0x33: {  	p0 =	seq.s32 s10, $0x1;
	s10 =	sld [smem:$0x3FB5];
	_ =	sdelay $0x3  }
0x34: {  	[smem:$0x3FB5] =	sst s10  }
0x35: {  	s10 =	sld [smem:$0x3FB4];
	_ =	sdelay $0x3  }
0x36: {  	p1 =	seq.s32 s10, $0x1;
	s10 =	sld [smem:$0x3FB5];
	_ =	sdelay $0x3  }
0x37: {  	[smem:$0x3FB5] =	sst s10  }
0x38: {  	s10 =	sld [smem:$0x3FB6]  }
0x39: {  	_ = 	snop;
	(pc) =	sbr.ind lr, $3  }
0x3a: {  	_ = 	snop  }
0x3b: {  	_ = 	snop  }
0x3c: {  	p2 =	seq.s32 s10, $0x1;
	s10 =	sld [smem:$0x3FB5]  }
0x3d: {  	_ =	shalt  }
0x3e: {  	_ =	shalt  }
0x3f: {  	_ =	shalt  }
0x40: {  	_ =	shalt  }
0x41: {  	_ =	shalt  }
0x42: {  	_ =	shalt  }
0x43: {  	_ =	shalt  }
0x44: {  	_ =	shalt  }
0x45: {  	_ =	shalt  }
0x46: {  	_ =	shalt  }
0x47: {  	_ =	shalt  }
0x48: {  	_ =	shalt  }
0x49: {  	_ =	shalt  }
0x4a: {  	_ =	shalt  }
0x4b: {  	_ =	shalt  }
0x4c: {  	_ =	shalt  }
0x4d: {  	_ =	shalt  }
0x4e: {  	_ =	shalt  }
0x4f: {  	_ =	shalt  }
0x50: {  	_ =	shalt  }
0x51: {  	_ =	shalt  }
0x52: {  	_ =	shalt  }
0x53: {  	_ =	shalt  }
0x54: {  	_ =	shalt  }
0x55: {  	_ =	shalt  }
0x56: {  	_ =	shalt  }
0x57: {  	_ =	shalt  }
0x58: {  	_ =	shalt  }
0x59: {  	_ =	shalt  }
0x5a: {  	_ =	shalt  }
0x5b: {  	_ =	shalt  }
0x5c: {  	_ =	shalt  }
0x5d: {  	_ =	shalt  }
0x5e: {  	_ =	shalt  }
0x5f: {  	_ =	shalt  }
0x60: {  	_ =	shalt  }
0x61: {  	_ =	shalt  }
0x62: {  	_ =	shalt  }
0x63: {  	_ =	shalt  }
0x64: {  	_ =	shalt  }
0x65: {  	_ =	shalt  }
0x66: {  	_ =	shalt  }
0x67: {  	_ =	shalt  }
0x68: {  	_ =	shalt  }
0x69: {  	_ =	shalt  }
0x6a: {  	_ =	shalt  }
0x6b: {  	_ =	shalt  }
0x6c: {  	_ =	shalt  }
0x6d: {  	_ =	shalt  }
0x6e: {  	_ =	shalt  }
0x6f: {  	_ =	shalt  }
0x70: {  	_ =	shalt  }
0x71: {  	_ =	shalt  }
0x72: {  	_ =	shalt  }
0x73: {  	_ =	shalt  }
0x74: {  	_ =	shalt  }
0x75: {  	_ =	shalt  }
0x76: {  	_ =	shalt  }
0x77: {  	_ =	shalt  }
0x78: {  	_ =	shalt  }
0x79: {  	_ =	shalt  }
0x7a: {  	_ =	shalt  }
0x7b: {  	_ =	shalt  }
0x7c: {  	_ =	shalt  }
0x7d: {  	_ =	shalt  }
0x7e: {  	_ =	shalt  }
0x7f: {  	_ =	shalt  }
0x80: {  	_ =	shalt  }
0x81: {  	_ =	shalt  }
0x82: {  	_ =	shalt  }
0x83: {  	_ =	shalt  }
0x84: {  	_ =	shalt  }
0x85: {  	_ =	shalt  }
0x86: {  	_ =	shalt  }
0x87: {  	_ =	shalt  }
.Lfunc_end0:
.L_simem_size_0:
called_computation_lowered:
.L_overlay_start_0:
0x88: {  	s2 =	sld [smem:$0x3FD9]  }
0x89: {  	s3 =	sld [smem:$0x3FFE];
	_ =	sdelay $0x1  }
0x8a: {  	s1 =	srdreg.scid  }
0x8b: {  	s0 =	sand.u32 $0x1, s1  }
0x8c: {  	s14 =	sshll.u32 s0, $0xA;
	s2 =	sadd.s32 s3, s2  }
0x8d: {  	s2 =	sadd.s32 s2, s14  }
0x8e: {  	[smem:$0x3FC1] =	sst s2  }
0x8f: {  	_ = 	snop  }
0x90: {  	s2 =	sld [smem:$0x3FD0];
	_ =	sdelay $0x2  }
0x91: {  	s15 =	simm.s32 $0xA;
	s4 =	simm.s32 $0x10  }
0x92: {  	[smem:s4], [sflag:s15] =	dma.local [hbm:s2], $0x1  }
0x93: {  	_ =	swait.eq [sflag:s15], $0x1  }
0x94: {  	[sflag:s15] =	ssyncset.done $0x0  }
0x95: {  	s16 =	sld [smem:$0x13];
	[sflag:s15] =	ssyncadd.s32 $0xFFFFFFFF  }
0x96: {  	s17 =	sld [smem:$0x14];
	(tm) =	ssettm $0x1  }
0x97: {  	s18 =	sld [smem:$0x3FFB];
	_ =	sdelay $0x3  }
0x98: {  	_ =	strace s18  }
0x99: {  	s4 =	sld [smem:$0x3FFC];
	_ =	sdelay $0x3  }
0x9a: {  	_ =	strace s4  }
0x9b: {  	s4 =	sld [smem:$0x3FFD];
	_ =	sdelay $0x3  }
0x9c: {  	_ =	strace s4  }
0x9d: {  	_ =	strace $0x8FFFFFFF  }
0x9e: {  	s19 =	sld [smem:$0x3FDB];
	_ =	sdelay $0x1  }
0x9f: {  	s5 =	simm.s32 $_scs_section_size  }
0xa0: {  	s6 =	simm.s32 $_size__tile_overlayer_lowered;
	s7 =	simm.s32 $_tile_overlayer_lowered  }
0xa1: {  	s22 =	simm.s32 $0x1BFF;
	s21 =	sshll.u32 s7, $0x1;
	s4 =	sadd.s32 s5, s19  }
0xa2: {  	s8 =	simm.s32 $0x0;
	s20 =	sshll.u32 s6, $0x1;
	s6 =	sadd.s32 s21, s4  }
0xa3: {  	[timem:s8], [sflag:s22] =	dma.local [hbm:s6], s20  }
0xa4: {  	_ =	swait.ge [sflag:s22], s20  }
0xa5: {  	s5 =	ssub.s32 $0x0, s20;
	[sflag:s22] =	ssyncset.done $0x0  }
0xa6: {  	[sflag:s22] =	ssyncadd.s32 s5;
	_ =	sdelay $0x1  }
0xa7: {  	s23 =	simm.s32 $0x1B8B  }
0xa8: {  	_ =	swait.ge [sflag:s23], $0x1  }
0xa9: {  	[sflag:s23] =	ssyncset.done $0x0  }
0xaa: {  	s25 =	simm.s32 $0x1B8E;
	s24 =	sld [smem:$0x3FFE];
	[sflag:s23] =	ssyncadd.s32 $0xFFFFFFFF  }
0xab: {  	s26 =	simm.s32 $execute0_lowered;
	[smem:$0x3FD2] =	sst s25  }
0xac: {  	s6 =	sshll.u32 s26, $0x1;
	_ =	strace $0x80000046;
	[dreg:$0x1] =	wrdreg $0xFFFFFFFF  }
0xad: {  	s28 =	simm.s32 $_size_execute0_lowered;
	s4 =	sadd.s32 s4, s6;
	[dreg:$0x0] =	wrdreg $0x0  }
0xae: {  	s6 =	sshll.u32 s28, $0x1;
	[dreg:$0x2] =	wrdreg s4  }
0xaf: {  	[dreg:$0x3] =	wrdreg s6  }
0xb0: {  	[dreg:$0x4] =	wrdreg $0xC0  }
0xb1: {  	_ =	task [dreg:s8], $0x5FFFF  }
0xb2: {  	[dreg:$0x1] =	wrdreg $0xFFFFFFFF  }
0xb3: {  	[dreg:$0x0] =	wrdreg $0x60  }
0xb4: {  	[dreg:$0x2] =	wrdreg s24  }
0xb5: {  	[dreg:$0x3] =	wrdreg s16  }
0xb6: {  	[dreg:$0x4] =	wrdreg s17  }
0xb7: {  	[dreg:$0x5] =	wrdreg $0x9  }
0xb8: {  	_ =	task.clear_ibuf [dreg:s8], $0x6FFFF;
	_ =	strace $0x90000046  }
0xb9: {  	s29 =	simm.s32 $0x9;
	_ =	strace $0x80000048  }
0xba: {  	_ =	swait.ge [sflag:s29], $0x1  }
0xbb: {  	[sflag:s29] =	ssyncadd.s32 $0xFFFFFFFF  }
0xbc: {  	_ =	strace $0x90000048  }
0xbd: {  	_ =	sfence  }
0xbe: {  	s30 =	sld [smem:$0x0];
	_ =	sdelay $0x2  }
0xbf: {  	s31 =	sshll.u32 s1, $0xD;
	s1 =	sshrl.u32 s1, $0x2  }
0xc0: {  	s3 =	sand.u32 $0x4000, s31;
	s1 =	sadd.s32 s1, s30  }
0xc1: {  	s0 =	sor.u32 s3, s0;
	s1 =	sshll.u32 s1, $0x11  }
0xc2: {  	s0 =	sor.u32 s1, s0  }
0xc3: {  	s0 =	sadd.s32 $0x8F2B, s0  }
0xc4: {  	[sflag:s0] =	ssyncadd.remote.s32 $0x1  }
0xc5: {  	_ =	sfence.sel $0xFFFF  }
0xc6: {  	[dreg:$0x0] =	wrdreg $0xFFFFFFFF;
	(pc) =	sbr.abs _section_cstart, $3  }
0xc7: {  	[dreg:$0x1] =	wrdreg $0xFFFFFFFF  }
0xc8: {  	_ =	task.clear_ibuf [dreg:s8], $0x2FFFF;
	_ =	strace $0x9FFFFFFF  }
0xc9: {  	(tm) =	ssettm $0x7FFFFFFF  }
tec
execute0_lowered:
.L_overlay_start_1:
0x0: {  	(tag) =	ssettag $0x1  }
0x1: {  	s5 =	rddreg [dreg:$0x0]  }
0x2: {  	s1 =	srdreg.scid;
	s0 =	stileid.u32  }
0x3: {  	s9 =	rddreg [dreg:$0x1];
	s10 =	sand.u32 $0x1, s1;
	s30 =	sshll.u32 s0, $0x1  }
0x4: {  	s11 =	rddreg [dreg:$0x2];
	s12 =	sor.u32 s10, s30  }
0x5: {  	s2 =	simm.s32 $0x0;
	s1 =	rddreg [dreg:$0x3];
	s3 =	sshll.u32 s12, $0x3  }
0x6: {  	[smem:$0x7FF] =	sst s2;
	s3 =	sadd.s32 s3, s5  }
0x7: {  	_ =	strace $0x80000047;
	s4 =	sadd.s32 $0xC00, s3;
	s3 =	simm.s32 $0x2  }
0x8: {  	[tilespmem:s2], [sflag:$0x2] =	stream.linear.gather [hbm4b:s4+s2], $0x40, $0x38;
	[tilespmem:$0x2080] =	vst v63  }
0x9: {  	s6 =	simm.s32 $0x40;
	_ =	swait.ge [sflag:s3], $0x40  }
0xa: {  	s7 =	simm.s32 $0x80;
	s8 =	simm.s32 $0x1;
	[sflag:s3] =	ssyncset.done $0x0  }
0xb: {  	s10 =	ssub.s32 $0x2, s10;
	s5 =	sadd.s32 $0xE00, s5;
	[sflag:s3] =	ssyncadd.s32 $0xFFFFFFC0  }
0xc: {  	[tilespmem:s7], [sflag:$0x1] =	stream.indirect.gather [hbm4b:s5+s6], $0x80, s2, s6, $0xb8;
	[tilespmem:$0x2080] =	vst v63  }
0xd: {  	s13 =	sshrl.u32 s10, $0x1;
	_ =	swait.ge [sflag:s8], $0x2000  }
0xe: {  	s12 =	sshll.u32 s12, $0x9;
	s13 =	ssub.s32 s10, s13;
	[sflag:s8] =	ssyncset.done $0x0  }
0xf: {  	s9 =	sadd.s32 s9, s12;
	s31 =	smax.u32 s13, $0x1;
	[sflag:s8] =	ssyncadd.s32 $0xFFFFE000  }
0x10: {  	[hbm4b:s9+s2] =	stream.linear.scatter [tilespmem:s7], [sflag:$0x2], $0x1000, $0x38;
	[tilespmem:$0x2080] =	vst v63  }
0x11: {  	p0 =	sne.s32 s31, $0x1;
	_ =	swait.ge [sflag:s3], $0x1000  }
.Ltmp0:
0x12: {  	[sflag:s3] =	ssyncset.done $0x0;
	(pc) =	sbr.rel @!p0 .LBB2_2-.Ltmp0, $4  }
0x13: {  	s10 =	sadd.s32 s11, s12;
	s11 =	simm.s32 $0x1080;
	[sflag:s3] =	ssyncadd.s32 $0xFFFFF000  }
0x14: {  	[hbm4b:s10+s2] =	stream.linear.scatter [tilespmem:s11], [sflag:$0x2], $0x1000, $0x38;
	[tilespmem:$0x2080] =	vst v63  }
0x15: {  	_ =	swait.ge [sflag:s3], $0x1000  }
0x16: {  	s12 =	sadd.s32 $0xFFFFFFFF, s31;
	[sflag:s3] =	ssyncset.done $0x0  }
.LBB2_1:
0x17: {  	p0 =	sne.s32 s12, $0x1;
	s12 =	sadd.s32 $0xFFFFFFFF, s12;
	[sflag:s3] =	ssyncadd.s32 $0xFFFFF000  }
0x18: {  	[tilespmem:s2], [sflag:$0x2] =	stream.linear.gather [hbm4b:s4+s2], $0x40, $0x38;
	[tilespmem:$0x2080] =	vst v63  }
0x19: {  	_ =	swait.ge [sflag:s3], $0x40  }
0x1a: {  	[sflag:s3] =	ssyncset.done $0x0  }
0x1b: {  	[sflag:s3] =	ssyncadd.s32 $0xFFFFFFC0  }
0x1c: {  	[tilespmem:s7], [sflag:$0x1] =	stream.indirect.gather [hbm4b:s5+s6], $0x80, s2, s6, $0xb8;
	[tilespmem:$0x2080] =	vst v63  }
0x1d: {  	_ =	swait.ge [sflag:s8], $0x2000  }
0x1e: {  	[sflag:s8] =	ssyncset.done $0x0  }
0x1f: {  	[sflag:s8] =	ssyncadd.s32 $0xFFFFE000  }
0x20: {  	[hbm4b:s9+s2] =	stream.linear.scatter [tilespmem:s7], [sflag:$0x2], $0x1000, $0x38;
	[tilespmem:$0x2080] =	vst v63  }
0x21: {  	_ =	swait.ge [sflag:s3], $0x1000  }
.Ltmp1:
0x22: {  	[sflag:s3] =	ssyncset.done $0x0;
	(pc) =	sbr.rel @p0 .LBB2_1-.Ltmp1, $4  }
0x23: {  	[sflag:s3] =	ssyncadd.s32 $0xFFFFF000  }
0x24: {  	[hbm4b:s10+s2] =	stream.linear.scatter [tilespmem:s11], [sflag:$0x2], $0x1000, $0x38;
	[tilespmem:$0x2080] =	vst v63  }
0x25: {  	_ =	swait.ge [sflag:s3], $0x1000  }
0x26: {  	[sflag:s3] =	ssyncset.done $0x0  }
.LBB2_2:
0x27: {  	[sflag:s3] =	ssyncadd.s32 $0xFFFFF000  }
0x28: {  	_ =	sfence.sel $0x180000  }
0x29: {  	[bflag:$0x0] =	sbarrier.arrive $0xFFFF  }
0x2a: {  	p0 =	sne.s32 s0, $0x0;
	_ =	strace $0x90000047  }
0x2b: {  	s0 =	sadd.s32 @!p0 $0x100000, s1;
	[bflag:$0x2] =	sbarrier.arrive $0xFFFF  }
0x2c: {  	[sflag:s0] =	ssyncadd.tile.s32 @!p0 $0x1;
	_ =	shalt  }
.Lfunc_end2:
_tile_overlayer_lowered:
.L_overlay_start_2:
0x2d: {  	(tag) =	ssettag $0x2  }
0x2e: {  	s0 =	rddreg [dreg:$0x0];
	s2 =	stileid.u32  }
0x2f: {  	s1 =	rddreg [dreg:$0x1];
	p0 =	sne.s32 s2, $0x0  }
0x30: {  	s3 =	rddreg [dreg:$0x2];
	[bflag:$0x3] =	sbarrier.arrive $0xFFFF;
	s2 =	simm.s32 @!p0 $0x1C02  }
0x31: {  	[timem:s3], [sflag:s2] =	dma.local @!p0 [hbm:s0], s1  }
0x32: {  	s0 =	simm.s32 @!p0 $0x2  }
0x33: {  	_ =	swait.ge @!p0 [sflag:s0], s1  }
0x34: {  	s1 =	ssub.s32 @!p0 $0x0, s1;
	[sflag:s0] =	ssyncset.done @!p0 $0x0  }
0x35: {  	[sflag:s0] =	ssyncadd.s32 @!p0 s1  }
0x36: {  	[bflag:$0x3] =	sbarrier.arrive $0xFFFF  }
0x37: {  	_ =	shalt  }

</sc_bundles>
